<compile_context>
chip_gen: v7x
topology: tpu7x:2x2x1
jax: 0.10.2.dev20260603
libtpu: 0.0.44.dev20260713+nightly
codegen_flags: <defaults>
</compile_context>

<pallas_src>
import functools

import jax
import jax.numpy as jnp
from jax import lax
from jax.experimental import pallas as pl
from jax.experimental.pallas import tpu as pltpu
from jax.experimental.pallas import tpu_sc as plsc

N = 10000
E = 320000
H = 128
NC = 2
NS = 16
NW = NC * NS
EPW = E // NW
CH = 80
NIT = EPW // CH
RPT = 624
RTAIL = N - NS * RPT

_PREC = lax.Precision.HIGHEST


def _sc_scatter_body(x_hbm, src_hbm, dst_hbm, zero_hbm, out_hbm,
                     sidx, didx, rows, acc, sem):
    c = lax.axis_index("c")
    s = lax.axis_index("s")
    wid = s * NC + c
    r0 = s * RPT

    @pl.when(c == 0)
    def _():
        pltpu.sync_copy(x_hbm.at[pl.ds(r0, RPT)], acc.at[pl.ds(r0, RPT)])

        @pl.when(s == NS - 1)
        def _():
            pltpu.sync_copy(x_hbm.at[pl.ds(NS * RPT, RTAIL)],
                            acc.at[pl.ds(NS * RPT, RTAIL)])

    @pl.when(c != 0)
    def _():
        pltpu.sync_copy(zero_hbm.at[pl.ds(r0, RPT)], acc.at[pl.ds(r0, RPT)])

        @pl.when(s == NS - 1)
        def _():
            pltpu.sync_copy(zero_hbm.at[pl.ds(NS * RPT, RTAIL)],
                            acc.at[pl.ds(NS * RPT, RTAIL)])

    plsc.subcore_barrier()

    base = wid * EPW

    def body(i, carry):
        off = base + i * CH
        pltpu.sync_copy(src_hbm.at[pl.ds(off, CH)], sidx)
        pltpu.sync_copy(dst_hbm.at[pl.ds(off, CH)], didx)
        pltpu.async_copy(x_hbm.at[sidx], rows, sem).wait()
        pltpu.sync_copy(rows, acc.at[didx], add=True)
        return carry

    lax.fori_loop(0, NIT, body, 0)

    plsc.subcore_barrier()
    pltpu.sync_copy(acc.at[pl.ds(r0, RPT)], out_hbm.at[c, pl.ds(r0, RPT)])

    @pl.when(s == NS - 1)
    def _():
        pltpu.sync_copy(acc.at[pl.ds(NS * RPT, RTAIL)],
                        out_hbm.at[c, pl.ds(NS * RPT, RTAIL)])


def _make_sc_scatter():
    mesh = plsc.VectorSubcoreMesh(
        core_axis_name="c", subcore_axis_name="s",
        num_cores=NC, num_subcores=NS)
    return functools.partial(
        pl.kernel,
        out_type=jax.ShapeDtypeStruct((NC, N, H), jnp.float32),
        mesh=mesh,
        scratch_types=[
            pltpu.VMEM((CH,), jnp.int32),
            pltpu.VMEM((CH,), jnp.int32),
            pltpu.VMEM((CH, H), jnp.float32),
            pltpu.VMEM_SHARED((N, H), jnp.float32),
            pltpu.SemaphoreType.DMA,
        ],
    )(_sc_scatter_body)


_BLK = 1000
_NBLK = N // _BLK


def _dot_t(a, w):
    return lax.dot_general(a, w, (((1,), (1,)), ((), ())),
                           preferred_element_type=jnp.float32,
                           precision=_PREC)


def _tc_body(p0, p1, w_d1, b_d1, w_d2, b_d2, tfv, w_t1, b_t1, w_t2, b_t2,
             w_p1a, w_p1b, b_p1, w_p2, b_p2, out, acc):
    i = pl.program_id(0)

    @pl.when(i == 0)
    def _():
        acc[...] = jnp.zeros_like(acc)

    pre = p0[...] + p1[...]
    t = jax.nn.relu(_dot_t(pre, w_d1[...]) + b_d1[...])
    u = jax.nn.relu(_dot_t(t, w_d2[...]) + b_d2[...])
    acc[...] += jnp.sum(u.reshape(_BLK // 8, 8, H), axis=0)

    @pl.when(i == _NBLK - 1)
    def _():
        drug = jnp.sum(acc[...], axis=0, keepdims=True) * (1.0 / N)
        th = jax.nn.relu(_dot_t(tfv[...], w_t1[...]) + b_t1[...])
        temb = _dot_t(th, w_t2[...]) + b_t2[...]
        z = jax.nn.relu(_dot_t(drug, w_p1a[...]) + _dot_t(temb, w_p1b[...])
                        + b_p1[...])
        p = jnp.sum(z * w_p2[...]) + b_p2[...]
        out[...] = jax.nn.sigmoid(p)


def _make_tc():
    row_spec = pl.BlockSpec((_BLK, H), lambda i: (i, 0))
    full = lambda shape: pl.BlockSpec(shape, lambda i: (0,) * len(shape))
    return pl.pallas_call(
        _tc_body,
        grid=(_NBLK,),
        in_specs=[
            row_spec, row_spec,
            full((H, H)), full((1, H)),
            full((H, H)), full((1, H)),
            full((1, H)),
            full((H, H)), full((1, H)),
            full((H, H)), full((1, H)),
            full((H, H)), full((H, H)), full((1, H)),
            full((1, H)), full((1, 1)),
        ],
        out_specs=pl.BlockSpec((1, 1), lambda i: (0, 0)),
        out_shape=jax.ShapeDtypeStruct((1, 1), jnp.float32),
        scratch_shapes=[pltpu.VMEM((8, H), jnp.float32)],
    )


def kernel(x, edge_index, target_feat_vec, W_d1, b_d1, W_d2, b_d2,
           W_t1, b_t1, W_t2, b_t2, W_p1, b_p1, W_p2, b_p2):
    src = edge_index[0]
    dst = edge_index[1]
    zeros = jnp.zeros((N, H), dtype=jnp.float32)

    partials = _make_sc_scatter()(x, src, dst, zeros)

    out = _make_tc()(
        partials[0], partials[1],
        W_d1, b_d1.reshape(1, H),
        W_d2, b_d2.reshape(1, H),
        target_feat_vec.reshape(1, H),
        W_t1, b_t1.reshape(1, H),
        W_t2, b_t2.reshape(1, H),
        W_p1[:, :H], W_p1[:, H:], b_p1.reshape(1, H),
        W_p2, b_p2.reshape(1, 1),
    )
    return out

# --- scband reference (transcript-rebuilt; emitter-appended) ---
"""Pipeline reference for scband-drug-target-predictor-352187319175 (READ-ONLY COPY).

The authoritative reference and input builder live on the scoring server;
editing this copy changes nothing except your own understanding.
"""

import jax, jax.numpy as jnp
import numpy as np

N, E, DF, TF, H = 10000, 320000, 128, 128, 128

def setup_inputs(seed: int = 0) -> dict:
    key = jax.random.key(seed)
    ks = jax.random.split(key, 16)
    x = jax.random.normal(ks[0], (N, DF), dtype=jnp.float32)
    edge_index = jax.random.randint(ks[1], (2, E), 0, N, dtype=jnp.int32)
    target_feat_vec = jax.random.normal(ks[2], (TF,), dtype=jnp.float32)
    W_d1 = jax.random.normal(ks[3], (H, DF), dtype=jnp.float32) * 0.05
    b_d1 = jnp.zeros((H,), dtype=jnp.float32)
    W_d2 = jax.random.normal(ks[4], (H, H), dtype=jnp.float32) * 0.05
    b_d2 = jnp.zeros((H,), dtype=jnp.float32)
    W_t1 = jax.random.normal(ks[5], (H, TF), dtype=jnp.float32) * 0.05
    b_t1 = jnp.zeros((H,), dtype=jnp.float32)
    W_t2 = jax.random.normal(ks[6], (H, H), dtype=jnp.float32) * 0.05
    b_t2 = jnp.zeros((H,), dtype=jnp.float32)
    W_p1 = jax.random.normal(ks[7], (H, 2 * H), dtype=jnp.float32) * 0.05
    b_p1 = jnp.zeros((H,), dtype=jnp.float32)
    W_p2 = jax.random.normal(ks[8], (1, H), dtype=jnp.float32) * 0.05
    b_p2 = jnp.zeros((1,), dtype=jnp.float32)
    return {"x": x, "edge_index": edge_index, "target_feat_vec": target_feat_vec,
            "W_d1": W_d1, "b_d1": b_d1, "W_d2": W_d2, "b_d2": b_d2,
            "W_t1": W_t1, "b_t1": b_t1, "W_t2": W_t2, "b_t2": b_t2,
            "W_p1": W_p1, "b_p1": b_p1, "W_p2": W_p2, "b_p2": b_p2}

def reference(x, edge_index, target_feat_vec, W_d1, b_d1, W_d2, b_d2, W_t1, b_t1, W_t2, b_t2, W_p1, b_p1, W_p2, b_p2):
    n = x.shape[0]
    src, dst = edge_index[0], edge_index[1]
    loop = jnp.arange(n, dtype=edge_index.dtype)
    sa = jnp.concatenate([src, loop])
    da = jnp.concatenate([dst, loop])
    h = x @ W_d1.T + b_d1
    gathered = jnp.take(h, sa, axis=0)
    out = jnp.zeros((n, h.shape[1]), dtype=h.dtype).at[da].add(gathered)
    drug_emb = jnp.mean(jax.nn.relu(jax.nn.relu(out) @ W_d2.T + b_d2), axis=0, keepdims=True)
    t = target_feat_vec[None, :]
    target_emb = jax.nn.relu(t @ W_t1.T + b_t1) @ W_t2.T + b_t2
    z = jnp.concatenate([drug_emb, target_emb], axis=-1)
    p = jax.nn.relu(z @ W_p1.T + b_p1) @ W_p2.T + b_p2
    return jax.nn.sigmoid(p)

if __name__ == "__main__":
    import jax
    _d = setup_inputs()
    print(jax.jit(kernel)(*tuple(_d.values())))

</pallas_src>

<mosaic_0001>
#map = affine_map<(d0, d1) -> (0, 0)>
#map1 = affine_map<(d0, d1) -> (0)>
#map2 = affine_map<(d0, d1) -> (0, 0, 0)>
module attributes {stable_mosaic.version = 14 : i64} {
  func.func @_sc_scatter_body(%arg0: i32, %arg1: i32, %arg2: memref<10000x128xf32, #tpu.memory_space<hbm>>, %arg3: memref<320000xi32, #tpu.memory_space<hbm>>, %arg4: memref<320000xi32, #tpu.memory_space<hbm>>, %arg5: memref<10000x128xf32, #tpu.memory_space<hbm>>, %arg6: memref<2x10000x128xf32, #tpu.memory_space<hbm>>, %arg7: memref<80xi32, #tpu.memory_space<vmem>>, %arg8: memref<80xi32, #tpu.memory_space<vmem>>, %arg9: memref<80x128xf32, #tpu.memory_space<vmem>>, %arg10: memref<10000x128xf32, #tpu.memory_space<vmem_shared>>, %arg11: memref<!tpu.dma_semaphore, #tpu.memory_space<semaphore_mem>>) attributes {dimension_semantics = [#tpu.dimension_semantics<core_parallel>, #tpu.dimension_semantics<subcore_parallel>], iteration_bounds = array<i64: 2, 16>, scalar_prefetch = 0 : i64, scratch_operands = 5 : i64, tpu.core_type = #tpu.core_type<sc_vector_subcore>, window_params = [{transform_indices = #map}, {transform_indices = #map1}, {transform_indices = #map1}, {transform_indices = #map}, {transform_indices = #map2}]} {
    %mul3A = arith.constant 2 : i32
    %mul3A_0 = arith.muli %arg1, %mul3A : i32
    %add3A = arith.addi %mul3A_0, %arg0 : i32
    %mul3A_1 = arith.constant 624 : i32
    %mul3A_2 = arith.muli %arg1, %mul3A_1 : i32
    %eq3A = arith.constant 0 : i32
    %eq3A_3 = arith.cmpi eq, %arg0, %eq3A : i32
    %convert_element_type3A = arith.extui %eq3A_3 : i1 to i32
    %cond3A = arith.constant 0 : i32
    %cond3A_4 = arith.cmpi ne, %convert_element_type3A, %cond3A : i32
    scf.if %cond3A_4 {
      "tpu.region"() ({
        %run_scoped3A = tpu.sem_alloc : memref<!tpu.dma_semaphore, #tpu.memory_space<semaphore_mem>>
        %dma_start3A = arith.constant 0 : i32
        %dma_start3A_27 = tpu.memref_slice %arg10[%mul3A_2, %dma_start3A] : memref<10000x128xf32, #tpu.memory_space<vmem_shared>> -> memref<624x128xf32, #tpu.memory_space<vmem_shared>>
        %dma_start3A_28 = arith.constant 0 : i32
        %dma_start3A_29 = tpu.memref_slice %arg2[%mul3A_2, %dma_start3A_28] : memref<10000x128xf32, #tpu.memory_space<hbm>> -> memref<624x128xf32, #tpu.memory_space<hbm>>
        tpu.enqueue_dma source(%dma_start3A_29 : memref<624x128xf32, #tpu.memory_space<hbm>>) target(%dma_start3A_27 : memref<624x128xf32, #tpu.memory_space<vmem_shared>>) target_semaphore(%run_scoped3A : memref<!tpu.dma_semaphore, #tpu.memory_space<semaphore_mem>>)
        %dma_wait3A = arith.constant 0 : i32
        %dma_wait3A_30 = tpu.memref_slice %arg10[%mul3A_2, %dma_wait3A] : memref<10000x128xf32, #tpu.memory_space<vmem_shared>> -> memref<624x128xf32, #tpu.memory_space<vmem_shared>>
        %dma_wait3A_31 = arith.constant 0 : i32
        %dma_wait3A_32 = tpu.memref_slice %arg2[%mul3A_2, %dma_wait3A_31] : memref<10000x128xf32, #tpu.memory_space<hbm>> -> memref<624x128xf32, #tpu.memory_space<hbm>>
        tpu.wait_dma2 semaphore(%run_scoped3A : memref<!tpu.dma_semaphore, #tpu.memory_space<semaphore_mem>>) src(%dma_wait3A_32 : memref<624x128xf32, #tpu.memory_space<hbm>>) dst(%dma_wait3A_30 : memref<624x128xf32, #tpu.memory_space<vmem_shared>>)
        tpu.yield
      }) : () -> ()
      %eq3A_22 = arith.constant 15 : i32
      %eq3A_23 = arith.cmpi eq, %arg1, %eq3A_22 : i32
      %convert_element_type3A_24 = arith.extui %eq3A_23 : i1 to i32
      %cond3A_25 = arith.constant 0 : i32
      %cond3A_26 = arith.cmpi ne, %convert_element_type3A_24, %cond3A_25 : i32
      scf.if %cond3A_26 {
        "tpu.region"() ({
          %run_scoped3A = tpu.sem_alloc : memref<!tpu.dma_semaphore, #tpu.memory_space<semaphore_mem>>
          %dma_start3A = arith.constant 9984 : i32
          %dma_start3A_27 = arith.constant 0 : i32
          %dma_start3A_28 = tpu.memref_slice %arg10[%dma_start3A, %dma_start3A_27] : memref<10000x128xf32, #tpu.memory_space<vmem_shared>> -> memref<16x128xf32, #tpu.memory_space<vmem_shared>>
          %dma_start3A_29 = arith.constant 9984 : i32
          %dma_start3A_30 = arith.constant 0 : i32
          %dma_start3A_31 = tpu.memref_slice %arg2[%dma_start3A_29, %dma_start3A_30] : memref<10000x128xf32, #tpu.memory_space<hbm>> -> memref<16x128xf32, #tpu.memory_space<hbm>>
          tpu.enqueue_dma source(%dma_start3A_31 : memref<16x128xf32, #tpu.memory_space<hbm>>) target(%dma_start3A_28 : memref<16x128xf32, #tpu.memory_space<vmem_shared>>) target_semaphore(%run_scoped3A : memref<!tpu.dma_semaphore, #tpu.memory_space<semaphore_mem>>)
          %dma_wait3A = arith.constant 9984 : i32
          %dma_wait3A_32 = arith.constant 0 : i32
          %dma_wait3A_33 = tpu.memref_slice %arg10[%dma_wait3A, %dma_wait3A_32] : memref<10000x128xf32, #tpu.memory_space<vmem_shared>> -> memref<16x128xf32, #tpu.memory_space<vmem_shared>>
          %dma_wait3A_34 = arith.constant 9984 : i32
          %dma_wait3A_35 = arith.constant 0 : i32
          %dma_wait3A_36 = tpu.memref_slice %arg2[%dma_wait3A_34, %dma_wait3A_35] : memref<10000x128xf32, #tpu.memory_space<hbm>> -> memref<16x128xf32, #tpu.memory_space<hbm>>
          tpu.wait_dma2 semaphore(%run_scoped3A : memref<!tpu.dma_semaphore, #tpu.memory_space<semaphore_mem>>) src(%dma_wait3A_36 : memref<16x128xf32, #tpu.memory_space<hbm>>) dst(%dma_wait3A_33 : memref<16x128xf32, #tpu.memory_space<vmem_shared>>)
          tpu.yield
        }) : () -> ()
      } else {
      }
    } else {
    }
    %ne3A = arith.constant 0 : i32
    %ne3A_5 = arith.cmpi ne, %arg0, %ne3A : i32
    %convert_element_type3A_6 = arith.extui %ne3A_5 : i1 to i32
    %cond3A_7 = arith.constant 0 : i32
    %cond3A_8 = arith.cmpi ne, %convert_element_type3A_6, %cond3A_7 : i32
    scf.if %cond3A_8 {
      "tpu.region"() ({
        %run_scoped3A = tpu.sem_alloc : memref<!tpu.dma_semaphore, #tpu.memory_space<semaphore_mem>>
        %dma_start3A = arith.constant 0 : i32
        %dma_start3A_27 = tpu.memref_slice %arg10[%mul3A_2, %dma_start3A] : memref<10000x128xf32, #tpu.memory_space<vmem_shared>> -> memref<624x128xf32, #tpu.memory_space<vmem_shared>>
        %dma_start3A_28 = arith.constant 0 : i32
        %dma_start3A_29 = tpu.memref_slice %arg5[%mul3A_2, %dma_start3A_28] : memref<10000x128xf32, #tpu.memory_space<hbm>> -> memref<624x128xf32, #tpu.memory_space<hbm>>
        tpu.enqueue_dma source(%dma_start3A_29 : memref<624x128xf32, #tpu.memory_space<hbm>>) target(%dma_start3A_27 : memref<624x128xf32, #tpu.memory_space<vmem_shared>>) target_semaphore(%run_scoped3A : memref<!tpu.dma_semaphore, #tpu.memory_space<semaphore_mem>>)
        %dma_wait3A = arith.constant 0 : i32
        %dma_wait3A_30 = tpu.memref_slice %arg10[%mul3A_2, %dma_wait3A] : memref<10000x128xf32, #tpu.memory_space<vmem_shared>> -> memref<624x128xf32, #tpu.memory_space<vmem_shared>>
        %dma_wait3A_31 = arith.constant 0 : i32
        %dma_wait3A_32 = tpu.memref_slice %arg5[%mul3A_2, %dma_wait3A_31] : memref<10000x128xf32, #tpu.memory_space<hbm>> -> memref<624x128xf32, #tpu.memory_space<hbm>>
        tpu.wait_dma2 semaphore(%run_scoped3A : memref<!tpu.dma_semaphore, #tpu.memory_space<semaphore_mem>>) src(%dma_wait3A_32 : memref<624x128xf32, #tpu.memory_space<hbm>>) dst(%dma_wait3A_30 : memref<624x128xf32, #tpu.memory_space<vmem_shared>>)
        tpu.yield
      }) : () -> ()
      %eq3A_22 = arith.constant 15 : i32
      %eq3A_23 = arith.cmpi eq, %arg1, %eq3A_22 : i32
      %convert_element_type3A_24 = arith.extui %eq3A_23 : i1 to i32
      %cond3A_25 = arith.constant 0 : i32
      %cond3A_26 = arith.cmpi ne, %convert_element_type3A_24, %cond3A_25 : i32
      scf.if %cond3A_26 {
        "tpu.region"() ({
          %run_scoped3A = tpu.sem_alloc : memref<!tpu.dma_semaphore, #tpu.memory_space<semaphore_mem>>
          %dma_start3A = arith.constant 9984 : i32
          %dma_start3A_27 = arith.constant 0 : i32
          %dma_start3A_28 = tpu.memref_slice %arg10[%dma_start3A, %dma_start3A_27] : memref<10000x128xf32, #tpu.memory_space<vmem_shared>> -> memref<16x128xf32, #tpu.memory_space<vmem_shared>>
          %dma_start3A_29 = arith.constant 9984 : i32
          %dma_start3A_30 = arith.constant 0 : i32
          %dma_start3A_31 = tpu.memref_slice %arg5[%dma_start3A_29, %dma_start3A_30] : memref<10000x128xf32, #tpu.memory_space<hbm>> -> memref<16x128xf32, #tpu.memory_space<hbm>>
          tpu.enqueue_dma source(%dma_start3A_31 : memref<16x128xf32, #tpu.memory_space<hbm>>) target(%dma_start3A_28 : memref<16x128xf32, #tpu.memory_space<vmem_shared>>) target_semaphore(%run_scoped3A : memref<!tpu.dma_semaphore, #tpu.memory_space<semaphore_mem>>)
          %dma_wait3A = arith.constant 9984 : i32
          %dma_wait3A_32 = arith.constant 0 : i32
          %dma_wait3A_33 = tpu.memref_slice %arg10[%dma_wait3A, %dma_wait3A_32] : memref<10000x128xf32, #tpu.memory_space<vmem_shared>> -> memref<16x128xf32, #tpu.memory_space<vmem_shared>>
          %dma_wait3A_34 = arith.constant 9984 : i32
          %dma_wait3A_35 = arith.constant 0 : i32
          %dma_wait3A_36 = tpu.memref_slice %arg5[%dma_wait3A_34, %dma_wait3A_35] : memref<10000x128xf32, #tpu.memory_space<hbm>> -> memref<16x128xf32, #tpu.memory_space<hbm>>
          tpu.wait_dma2 semaphore(%run_scoped3A : memref<!tpu.dma_semaphore, #tpu.memory_space<semaphore_mem>>) src(%dma_wait3A_36 : memref<16x128xf32, #tpu.memory_space<hbm>>) dst(%dma_wait3A_33 : memref<16x128xf32, #tpu.memory_space<vmem_shared>>)
          tpu.yield
        }) : () -> ()
      } else {
      }
    } else {
    }
    %barrier3A = arith.constant 0 : index
    tpu.barrier barrier_id(%barrier3A)
    %mul3A_9 = arith.constant 10000 : i32
    %mul3A_10 = arith.muli %add3A, %mul3A_9 : i32
    %scan3A = arith.constant 0 : i32
    %scan3A_11 = arith.constant 0 : i32
    %scan3A_12 = arith.constant 125 : i32
    %scan3A_13 = arith.addi %scan3A_11, %scan3A_12 : i32
    %scan3A_14 = arith.constant 1 : i32
    scf.for %scan3A_22 = %scan3A_11 to %scan3A_13 step %scan3A_14  : i32 {
      %mul3A_23 = arith.constant 80 : i32
      %mul3A_24 = arith.muli %scan3A_22, %mul3A_23 : i32
      %add3A_25 = arith.addi %mul3A_10, %mul3A_24 : i32
      "tpu.region"() ({
        %run_scoped3A = tpu.sem_alloc : memref<!tpu.dma_semaphore, #tpu.memory_space<semaphore_mem>>
        %dma_start3A_30 = tpu.memref_slice %arg3[%add3A_25] : memref<320000xi32, #tpu.memory_space<hbm>> -> memref<80xi32, #tpu.memory_space<hbm>>
        %dma_start3A_31 = tpu.memref_slice %arg3[%add3A_25] : memref<320000xi32, #tpu.memory_space<hbm>> -> memref<80xi32, #tpu.memory_space<hbm>>
        tpu.enqueue_dma source(%dma_start3A_31 : memref<80xi32, #tpu.memory_space<hbm>>) target(%arg7 : memref<80xi32, #tpu.memory_space<vmem>>) target_semaphore(%run_scoped3A : memref<!tpu.dma_semaphore, #tpu.memory_space<semaphore_mem>>)
        %dma_wait3A_32 = tpu.memref_slice %arg3[%add3A_25] : memref<320000xi32, #tpu.memory_space<hbm>> -> memref<80xi32, #tpu.memory_space<hbm>>
        %dma_wait3A_33 = tpu.memref_slice %arg3[%add3A_25] : memref<320000xi32, #tpu.memory_space<hbm>> -> memref<80xi32, #tpu.memory_space<hbm>>
        tpu.wait_dma2 semaphore(%run_scoped3A : memref<!tpu.dma_semaphore, #tpu.memory_space<semaphore_mem>>) src(%dma_wait3A_33 : memref<80xi32, #tpu.memory_space<hbm>>) dst(%arg7 : memref<80xi32, #tpu.memory_space<vmem>>)
        tpu.yield
      }) : () -> ()
      "tpu.region"() ({
        %run_scoped3A = tpu.sem_alloc : memref<!tpu.dma_semaphore, #tpu.memory_space<semaphore_mem>>
        %dma_start3A_30 = tpu.memref_slice %arg4[%add3A_25] : memref<320000xi32, #tpu.memory_space<hbm>> -> memref<80xi32, #tpu.memory_space<hbm>>
        %dma_start3A_31 = tpu.memref_slice %arg4[%add3A_25] : memref<320000xi32, #tpu.memory_space<hbm>> -> memref<80xi32, #tpu.memory_space<hbm>>
        tpu.enqueue_dma source(%dma_start3A_31 : memref<80xi32, #tpu.memory_space<hbm>>) target(%arg8 : memref<80xi32, #tpu.memory_space<vmem>>) target_semaphore(%run_scoped3A : memref<!tpu.dma_semaphore, #tpu.memory_space<semaphore_mem>>)
        %dma_wait3A_32 = tpu.memref_slice %arg4[%add3A_25] : memref<320000xi32, #tpu.memory_space<hbm>> -> memref<80xi32, #tpu.memory_space<hbm>>
        %dma_wait3A_33 = tpu.memref_slice %arg4[%add3A_25] : memref<320000xi32, #tpu.memory_space<hbm>> -> memref<80xi32, #tpu.memory_space<hbm>>
        tpu.wait_dma2 semaphore(%run_scoped3A : memref<!tpu.dma_semaphore, #tpu.memory_space<semaphore_mem>>) src(%dma_wait3A_33 : memref<80xi32, #tpu.memory_space<hbm>>) dst(%arg8 : memref<80xi32, #tpu.memory_space<vmem>>)
        tpu.yield
      }) : () -> ()
      %dma_start3A = arith.constant 0 : i32
      %dma_start3A_26 = arith.constant 0 : i32
      %dma_start3A_27 = tpu.memref_slice %arg2[%dma_start3A, %dma_start3A_26] : memref<10000x128xf32, #tpu.memory_space<hbm>> -> memref<10000x128xf32, #tpu.memory_space<hbm>>
      tpu.enqueue_indirect_dma source(%dma_start3A_27 : memref<10000x128xf32, #tpu.memory_space<hbm>>) target(%arg9 : memref<80x128xf32, #tpu.memory_space<vmem>>) offsets(%arg7 : memref<80xi32, #tpu.memory_space<vmem>>) semaphore(%arg11 : memref<!tpu.dma_semaphore, #tpu.memory_space<semaphore_mem>>)
      %dma_wait3A = arith.constant 0 : i32
      %dma_wait3A_28 = arith.constant 0 : i32
      %dma_wait3A_29 = tpu.memref_slice %arg2[%dma_wait3A, %dma_wait3A_28] : memref<10000x128xf32, #tpu.memory_space<hbm>> -> memref<10000x128xf32, #tpu.memory_space<hbm>>
      tpu.wait_indirect_dma semaphore(%arg11 : memref<!tpu.dma_semaphore, #tpu.memory_space<semaphore_mem>>) src(%dma_wait3A_29 : memref<10000x128xf32, #tpu.memory_space<hbm>>) dst(%arg9 : memref<80x128xf32, #tpu.memory_space<vmem>>)
      "tpu.region"() ({
        %run_scoped3A = tpu.sem_alloc : memref<!tpu.dma_semaphore, #tpu.memory_space<semaphore_mem>>
        %dma_start3A_30 = arith.constant 0 : i32
        %dma_start3A_31 = arith.constant 0 : i32
        %dma_start3A_32 = tpu.memref_slice %arg10[%dma_start3A_30, %dma_start3A_31] : memref<10000x128xf32, #tpu.memory_space<vmem_shared>> -> memref<10000x128xf32, #tpu.memory_space<vmem_shared>>
        tpu.enqueue_indirect_dma source(%arg9 : memref<80x128xf32, #tpu.memory_space<vmem>>) target(%dma_start3A_32 : memref<10000x128xf32, #tpu.memory_space<vmem_shared>>) offsets(%arg8 : memref<80xi32, #tpu.memory_space<vmem>>) semaphore(%run_scoped3A : memref<!tpu.dma_semaphore, #tpu.memory_space<semaphore_mem>>) {add = true}
        %dma_wait3A_33 = arith.constant 0 : i32
        %dma_wait3A_34 = arith.constant 0 : i32
        %dma_wait3A_35 = tpu.memref_slice %arg10[%dma_wait3A_33, %dma_wait3A_34] : memref<10000x128xf32, #tpu.memory_space<vmem_shared>> -> memref<10000x128xf32, #tpu.memory_space<vmem_shared>>
        tpu.wait_indirect_dma semaphore(%run_scoped3A : memref<!tpu.dma_semaphore, #tpu.memory_space<semaphore_mem>>) src(%arg9 : memref<80x128xf32, #tpu.memory_space<vmem>>) dst(%dma_wait3A_35 : memref<10000x128xf32, #tpu.memory_space<vmem_shared>>)
        tpu.yield
      }) : () -> ()
    }
    %scan3A_15 = arith.constant 125 : i32
    %barrier3A_16 = arith.constant 0 : index
    tpu.barrier barrier_id(%barrier3A_16)
    "tpu.region"() ({
      %run_scoped3A = tpu.sem_alloc : memref<!tpu.dma_semaphore, #tpu.memory_space<semaphore_mem>>
      %dma_start3A = arith.constant 0 : i32
      %dma_start3A_22 = tpu.memref_slice %arg6[%arg0, %mul3A_2, %dma_start3A] : memref<2x10000x128xf32, #tpu.memory_space<hbm>> -> memref<1x624x128xf32, #tpu.memory_space<hbm>>
      %dma_start3A_23 = tpu.memref_squeeze %dma_start3A_22 : memref<1x624x128xf32, #tpu.memory_space<hbm>> -> memref<624x128xf32, #tpu.memory_space<hbm>>
      %dma_start3A_24 = arith.constant 0 : i32
      %dma_start3A_25 = tpu.memref_slice %arg10[%mul3A_2, %dma_start3A_24] : memref<10000x128xf32, #tpu.memory_space<vmem_shared>> -> memref<624x128xf32, #tpu.memory_space<vmem_shared>>
      tpu.enqueue_dma source(%dma_start3A_25 : memref<624x128xf32, #tpu.memory_space<vmem_shared>>) target(%dma_start3A_23 : memref<624x128xf32, #tpu.memory_space<hbm>>) target_semaphore(%run_scoped3A : memref<!tpu.dma_semaphore, #tpu.memory_space<semaphore_mem>>)
      %dma_wait3A = arith.constant 0 : i32
      %dma_wait3A_26 = tpu.memref_slice %arg6[%arg0, %mul3A_2, %dma_wait3A] : memref<2x10000x128xf32, #tpu.memory_space<hbm>> -> memref<1x624x128xf32, #tpu.memory_space<hbm>>
      %dma_wait3A_27 = tpu.memref_squeeze %dma_wait3A_26 : memref<1x624x128xf32, #tpu.memory_space<hbm>> -> memref<624x128xf32, #tpu.memory_space<hbm>>
      %dma_wait3A_28 = arith.constant 0 : i32
      %dma_wait3A_29 = tpu.memref_slice %arg10[%mul3A_2, %dma_wait3A_28] : memref<10000x128xf32, #tpu.memory_space<vmem_shared>> -> memref<624x128xf32, #tpu.memory_space<vmem_shared>>
      tpu.wait_dma2 semaphore(%run_scoped3A : memref<!tpu.dma_semaphore, #tpu.memory_space<semaphore_mem>>) src(%dma_wait3A_29 : memref<624x128xf32, #tpu.memory_space<vmem_shared>>) dst(%dma_wait3A_27 : memref<624x128xf32, #tpu.memory_space<hbm>>)
      tpu.yield
    }) : () -> ()
    %eq3A_17 = arith.constant 15 : i32
    %eq3A_18 = arith.cmpi eq, %arg1, %eq3A_17 : i32
    %convert_element_type3A_19 = arith.extui %eq3A_18 : i1 to i32
    %cond3A_20 = arith.constant 0 : i32
    %cond3A_21 = arith.cmpi ne, %convert_element_type3A_19, %cond3A_20 : i32
    scf.if %cond3A_21 {
      "tpu.region"() ({
        %run_scoped3A = tpu.sem_alloc : memref<!tpu.dma_semaphore, #tpu.memory_space<semaphore_mem>>
        %dma_start3A = arith.constant 9984 : i32
        %dma_start3A_22 = arith.constant 0 : i32
        %dma_start3A_23 = tpu.memref_slice %arg6[%arg0, %dma_start3A, %dma_start3A_22] : memref<2x10000x128xf32, #tpu.memory_space<hbm>> -> memref<1x16x128xf32, #tpu.memory_space<hbm>>
        %dma_start3A_24 = tpu.memref_squeeze %dma_start3A_23 : memref<1x16x128xf32, #tpu.memory_space<hbm>> -> memref<16x128xf32, #tpu.memory_space<hbm>>
        %dma_start3A_25 = arith.constant 9984 : i32
        %dma_start3A_26 = arith.constant 0 : i32
        %dma_start3A_27 = tpu.memref_slice %arg10[%dma_start3A_25, %dma_start3A_26] : memref<10000x128xf32, #tpu.memory_space<vmem_shared>> -> memref<16x128xf32, #tpu.memory_space<vmem_shared>>
        tpu.enqueue_dma source(%dma_start3A_27 : memref<16x128xf32, #tpu.memory_space<vmem_shared>>) target(%dma_start3A_24 : memref<16x128xf32, #tpu.memory_space<hbm>>) target_semaphore(%run_scoped3A : memref<!tpu.dma_semaphore, #tpu.memory_space<semaphore_mem>>)
        %dma_wait3A = arith.constant 9984 : i32
        %dma_wait3A_28 = arith.constant 0 : i32
        %dma_wait3A_29 = tpu.memref_slice %arg6[%arg0, %dma_wait3A, %dma_wait3A_28] : memref<2x10000x128xf32, #tpu.memory_space<hbm>> -> memref<1x16x128xf32, #tpu.memory_space<hbm>>
        %dma_wait3A_30 = tpu.memref_squeeze %dma_wait3A_29 : memref<1x16x128xf32, #tpu.memory_space<hbm>> -> memref<16x128xf32, #tpu.memory_space<hbm>>
        %dma_wait3A_31 = arith.constant 9984 : i32
        %dma_wait3A_32 = arith.constant 0 : i32
        %dma_wait3A_33 = tpu.memref_slice %arg10[%dma_wait3A_31, %dma_wait3A_32] : memref<10000x128xf32, #tpu.memory_space<vmem_shared>> -> memref<16x128xf32, #tpu.memory_space<vmem_shared>>
        tpu.wait_dma2 semaphore(%run_scoped3A : memref<!tpu.dma_semaphore, #tpu.memory_space<semaphore_mem>>) src(%dma_wait3A_33 : memref<16x128xf32, #tpu.memory_space<vmem_shared>>) dst(%dma_wait3A_30 : memref<16x128xf32, #tpu.memory_space<hbm>>)
        tpu.yield
      }) : () -> ()
    } else {
    }
    return
  }
}

module attributes {stable_mosaic.version = 14 : i64} {
  func.func @_tc_body(%arg0: i32, %arg1: memref<1000x128xf32, #tpu.memory_space<vmem>>, %arg2: memref<1000x128xf32, #tpu.memory_space<vmem>>, %arg3: memref<128x128xf32, #tpu.memory_space<vmem>>, %arg4: memref<1x128xf32, #tpu.memory_space<vmem>>, %arg5: memref<128x128xf32, #tpu.memory_space<vmem>>, %arg6: memref<1x128xf32, #tpu.memory_space<vmem>>, %arg7: memref<1x128xf32, #tpu.memory_space<vmem>>, %arg8: memref<128x128xf32, #tpu.memory_space<vmem>>, %arg9: memref<1x128xf32, #tpu.memory_space<vmem>>, %arg10: memref<128x128xf32, #tpu.memory_space<vmem>>, %arg11: memref<1x128xf32, #tpu.memory_space<vmem>>, %arg12: memref<128x128xf32, #tpu.memory_space<vmem>>, %arg13: memref<128x128xf32, #tpu.memory_space<vmem>>, %arg14: memref<1x128xf32, #tpu.memory_space<vmem>>, %arg15: memref<1x128xf32, #tpu.memory_space<vmem>>, %arg16: memref<1x1xf32, #tpu.memory_space<vmem>>, %arg17: memref<1x1xf32, #tpu.memory_space<vmem>>, %arg18: memref<8x128xf32, #tpu.memory_space<vmem>>) attributes {dimension_semantics = [#tpu.dimension_semantics<arbitrary>], iteration_bounds = array<i64: 10>, scalar_prefetch = 0 : i64, scratch_operands = 1 : i64, tpu.core_type = #tpu.core_type<tc>, window_params = [{transform_indices = @transform_0, window_bounds = array<i64: 1000, 128>}, {transform_indices = @transform_1, window_bounds = array<i64: 1000, 128>}, {pipeline_mode = #tpu.pipeline_mode<synchronous>, transform_indices = @transform_2, window_bounds = array<i64: 128, 128>}, {pipeline_mode = #tpu.pipeline_mode<synchronous>, transform_indices = @transform_3, window_bounds = array<i64: 1, 128>}, {pipeline_mode = #tpu.pipeline_mode<synchronous>, transform_indices = @transform_4, window_bounds = array<i64: 128, 128>}, {pipeline_mode = #tpu.pipeline_mode<synchronous>, transform_indices = @transform_5, window_bounds = array<i64: 1, 128>}, {pipeline_mode = #tpu.pipeline_mode<synchronous>, transform_indices = @transform_6, window_bounds = array<i64: 1, 128>}, {pipeline_mode = #tpu.pipeline_mode<synchronous>, transform_indices = @transform_7, window_bounds = array<i64: 128, 128>}, {pipeline_mode = #tpu.pipeline_mode<synchronous>, transform_indices = @transform_8, window_bounds = array<i64: 1, 128>}, {pipeline_mode = #tpu.pipeline_mode<synchronous>, transform_indices = @transform_9, window_bounds = array<i64: 128, 128>}, {pipeline_mode = #tpu.pipeline_mode<synchronous>, transform_indices = @transform_10, window_bounds = array<i64: 1, 128>}, {pipeline_mode = #tpu.pipeline_mode<synchronous>, transform_indices = @transform_11, window_bounds = array<i64: 128, 128>}, {pipeline_mode = #tpu.pipeline_mode<synchronous>, transform_indices = @transform_12, window_bounds = array<i64: 128, 128>}, {pipeline_mode = #tpu.pipeline_mode<synchronous>, transform_indices = @transform_13, window_bounds = array<i64: 1, 128>}, {pipeline_mode = #tpu.pipeline_mode<synchronous>, transform_indices = @transform_14, window_bounds = array<i64: 1, 128>}, {pipeline_mode = #tpu.pipeline_mode<synchronous>, transform_indices = @transform_15, window_bounds = array<i64: 1, 1>}, {pipeline_mode = #tpu.pipeline_mode<synchronous>, transform_indices = @transform_16, window_bounds = array<i64: 1, 1>}]} {
    %eq3A = arith.constant 0 : i32
    %eq3A_0 = arith.cmpi eq, %arg0, %eq3A : i32
    %convert_element_type3A = arith.extui %eq3A_0 : i1 to i32
    %cond3A = arith.constant 0 : i32
    %cond3A_1 = arith.cmpi ne, %convert_element_type3A, %cond3A : i32
    scf.if %cond3A_1 {
      %broadcast_in_dim3A = arith.constant 0.000000e+00 : f32
      %broadcast_in_dim3A_43 = vector.broadcast %broadcast_in_dim3A : f32 to vector<8x128xf32>
      %swap3A_44 = arith.constant 0 : index
      %swap3A_45 = arith.constant 0 : index
      %swap3A_46 = vector.load %arg18[%swap3A_44, %swap3A_45] : memref<8x128xf32, #tpu.memory_space<vmem>>, vector<8x128xf32>
      tpu.vector_store %arg18[%swap3A_44, %swap3A_45], %broadcast_in_dim3A_43 {strides = array<i32>} : memref<8x128xf32, #tpu.memory_space<vmem>>, vector<8x128xf32>,
    } else {
    }
    %get3A = arith.constant 0 : index
    %get3A_2 = arith.constant 0 : index
    %get3A_3 = vector.load %arg1[%get3A, %get3A_2] : memref<1000x128xf32, #tpu.memory_space<vmem>>, vector<1000x128xf32>
    %get3A_4 = arith.constant 0 : index
    %get3A_5 = arith.constant 0 : index
    %get3A_6 = vector.load %arg2[%get3A_4, %get3A_5] : memref<1000x128xf32, #tpu.memory_space<vmem>>, vector<1000x128xf32>
    %add3A = arith.addf %get3A_3, %get3A_6 : vector<1000x128xf32>
    %get3A_7 = arith.constant 0 : index
    %get3A_8 = arith.constant 0 : index
    %get3A_9 = vector.load %arg3[%get3A_7, %get3A_8] : memref<128x128xf32, #tpu.memory_space<vmem>>, vector<128x128xf32>
    %dot_general3A = arith.constant dense<0.000000e+00> : vector<1000x128xf32>
    %dot_general3A_10 = tpu.matmul %add3A, %get3A_9, %dot_general3A {dimension_numbers = #tpu.dot_dimension_numbers<[1], [1], [0], [0], [0, 0, 1, 0], [], []>, precision = #tpu.contract_precision<fp32>, transpose_lhs_hint = false} : vector<1000x128xf32>, vector<128x128xf32>, vector<1000x128xf32> -> vector<1000x128xf32>
    %get3A_11 = arith.constant 0 : index
    %get3A_12 = arith.constant 0 : index
    %get3A_13 = vector.load %arg4[%get3A_11, %get3A_12] : memref<1x128xf32, #tpu.memory_space<vmem>>, vector<1x128xf32>
    %add3A_14 = vector.broadcast %get3A_13 : vector<1x128xf32> to vector<1000x128xf32>
    %add3A_15 = arith.addf %dot_general3A_10, %add3A_14 : vector<1000x128xf32>
    %max3A = arith.constant 0.000000e+00 : f32
    %max3A_16 = vector.broadcast %max3A : f32 to vector<1000x128xf32>
    %max3A_17 = arith.maximumf %add3A_15, %max3A_16 : vector<1000x128xf32>
    %get3A_18 = arith.constant 0 : index
    %get3A_19 = arith.constant 0 : index
    %get3A_20 = vector.load %arg5[%get3A_18, %get3A_19] : memref<128x128xf32, #tpu.memory_space<vmem>>, vector<128x128xf32>
    %dot_general3A_21 = arith.constant dense<0.000000e+00> : vector<1000x128xf32>
    %dot_general3A_22 = tpu.matmul %max3A_17, %get3A_20, %dot_general3A_21 {dimension_numbers = #tpu.dot_dimension_numbers<[1], [1], [0], [0], [0, 0, 1, 0], [], []>, precision = #tpu.contract_precision<fp32>, transpose_lhs_hint = false} : vector<1000x128xf32>, vector<128x128xf32>, vector<1000x128xf32> -> vector<1000x128xf32>
    %get3A_23 = arith.constant 0 : index
    %get3A_24 = arith.constant 0 : index
    %get3A_25 = vector.load %arg6[%get3A_23, %get3A_24] : memref<1x128xf32, #tpu.memory_space<vmem>>, vector<1x128xf32>
    %add3A_26 = vector.broadcast %get3A_25 : vector<1x128xf32> to vector<1000x128xf32>
    %add3A_27 = arith.addf %dot_general3A_22, %add3A_26 : vector<1000x128xf32>
    %max3A_28 = arith.constant 0.000000e+00 : f32
    %max3A_29 = vector.broadcast %max3A_28 : f32 to vector<1000x128xf32>
    %max3A_30 = arith.maximumf %add3A_27, %max3A_29 : vector<1000x128xf32>
    %get3A_31 = arith.constant 0 : index
    %get3A_32 = arith.constant 0 : index
    %get3A_33 = vector.load %arg18[%get3A_31, %get3A_32] : memref<8x128xf32, #tpu.memory_space<vmem>>, vector<8x128xf32>
    %reshape3A = vector.shape_cast %max3A_30 : vector<1000x128xf32> to vector<125x8x128xf32>
    %reduce_sum3A = arith.constant dense<0.000000e+00> : vector<8x128xf32>
    %reduce_sum3A_34 = vector.multi_reduction <add>, %reshape3A, %reduce_sum3A [0] : vector<125x8x128xf32> to vector<8x128xf32>
    %add3A_35 = arith.addf %get3A_33, %reduce_sum3A_34 : vector<8x128xf32>
    %swap3A = arith.constant 0 : index
    %swap3A_36 = arith.constant 0 : index
    %swap3A_37 = vector.load %arg18[%swap3A, %swap3A_36] : memref<8x128xf32, #tpu.memory_space<vmem>>, vector<8x128xf32>
    tpu.vector_store %arg18[%swap3A, %swap3A_36], %add3A_35 {strides = array<i32>} : memref<8x128xf32, #tpu.memory_space<vmem>>, vector<8x128xf32>,
    %eq3A_38 = arith.constant 9 : i32
    %eq3A_39 = arith.cmpi eq, %arg0, %eq3A_38 : i32
    %convert_element_type3A_40 = arith.extui %eq3A_39 : i1 to i32
    %cond3A_41 = arith.constant 0 : i32
    %cond3A_42 = arith.cmpi ne, %convert_element_type3A_40, %cond3A_41 : i32
    scf.if %cond3A_42 {
      %get3A_43 = arith.constant 0 : index
      %get3A_44 = arith.constant 0 : index
      %get3A_45 = vector.load %arg18[%get3A_43, %get3A_44] : memref<8x128xf32, #tpu.memory_space<vmem>>, vector<8x128xf32>
      %reduce_sum3A_46 = arith.constant dense<0.000000e+00> : vector<128xf32>
      %reduce_sum3A_47 = vector.multi_reduction <add>, %get3A_45, %reduce_sum3A_46 [0] : vector<8x128xf32> to vector<128xf32>
      %broadcast_in_dim3A = vector.shape_cast %reduce_sum3A_47 : vector<128xf32> to vector<1x128xf32>
      %mul3A = arith.constant 9.99999974E-5 : f32
      %mul3A_48 = vector.broadcast %mul3A : f32 to vector<1x128xf32>
      %mul3A_49 = arith.mulf %broadcast_in_dim3A, %mul3A_48 : vector<1x128xf32>
      %get3A_50 = arith.constant 0 : index
      %get3A_51 = arith.constant 0 : index
      %get3A_52 = vector.load %arg7[%get3A_50, %get3A_51] : memref<1x128xf32, #tpu.memory_space<vmem>>, vector<1x128xf32>
      %get3A_53 = arith.constant 0 : index
      %get3A_54 = arith.constant 0 : index
      %get3A_55 = vector.load %arg8[%get3A_53, %get3A_54] : memref<128x128xf32, #tpu.memory_space<vmem>>, vector<128x128xf32>
      %dot_general3A_56 = arith.constant dense<0.000000e+00> : vector<1x128xf32>
      %dot_general3A_57 = tpu.matmul %get3A_52, %get3A_55, %dot_general3A_56 {dimension_numbers = #tpu.dot_dimension_numbers<[1], [1], [0], [0], [0, 0, 1, 0], [], []>, precision = #tpu.contract_precision<fp32>, transpose_lhs_hint = false} : vector<1x128xf32>, vector<128x128xf32>, vector<1x128xf32> -> vector<1x128xf32>
      %get3A_58 = arith.constant 0 : index
      %get3A_59 = arith.constant 0 : index
      %get3A_60 = vector.load %arg9[%get3A_58, %get3A_59] : memref<1x128xf32, #tpu.memory_space<vmem>>, vector<1x128xf32>
      %add3A_61 = arith.addf %dot_general3A_57, %get3A_60 : vector<1x128xf32>
      %max3A_62 = arith.constant 0.000000e+00 : f32
      %max3A_63 = vector.broadcast %max3A_62 : f32 to vector<1x128xf32>
      %max3A_64 = arith.maximumf %add3A_61, %max3A_63 : vector<1x128xf32>
      %get3A_65 = arith.constant 0 : index
      %get3A_66 = arith.constant 0 : index
      %get3A_67 = vector.load %arg10[%get3A_65, %get3A_66] : memref<128x128xf32, #tpu.memory_space<vmem>>, vector<128x128xf32>
      %dot_general3A_68 = arith.constant dense<0.000000e+00> : vector<1x128xf32>
      %dot_general3A_69 = tpu.matmul %max3A_64, %get3A_67, %dot_general3A_68 {dimension_numbers = #tpu.dot_dimension_numbers<[1], [1], [0], [0], [0, 0, 1, 0], [], []>, precision = #tpu.contract_precision<fp32>, transpose_lhs_hint = false} : vector<1x128xf32>, vector<128x128xf32>, vector<1x128xf32> -> vector<1x128xf32>
      %get3A_70 = arith.constant 0 : index
      %get3A_71 = arith.constant 0 : index
      %get3A_72 = vector.load %arg11[%get3A_70, %get3A_71] : memref<1x128xf32, #tpu.memory_space<vmem>>, vector<1x128xf32>
      %add3A_73 = arith.addf %dot_general3A_69, %get3A_72 : vector<1x128xf32>
      %get3A_74 = arith.constant 0 : index
      %get3A_75 = arith.constant 0 : index
      %get3A_76 = vector.load %arg12[%get3A_74, %get3A_75] : memref<128x128xf32, #tpu.memory_space<vmem>>, vector<128x128xf32>
      %dot_general3A_77 = arith.constant dense<0.000000e+00> : vector<1x128xf32>
      %dot_general3A_78 = tpu.matmul %mul3A_49, %get3A_76, %dot_general3A_77 {dimension_numbers = #tpu.dot_dimension_numbers<[1], [1], [0], [0], [0, 0, 1, 0], [], []>, precision = #tpu.contract_precision<fp32>, transpose_lhs_hint = false} : vector<1x128xf32>, vector<128x128xf32>, vector<1x128xf32> -> vector<1x128xf32>
      %get3A_79 = arith.constant 0 : index
      %get3A_80 = arith.constant 0 : index
      %get3A_81 = vector.load %arg13[%get3A_79, %get3A_80] : memref<128x128xf32, #tpu.memory_space<vmem>>, vector<128x128xf32>
      %dot_general3A_82 = arith.constant dense<0.000000e+00> : vector<1x128xf32>
      %dot_general3A_83 = tpu.matmul %add3A_73, %get3A_81, %dot_general3A_82 {dimension_numbers = #tpu.dot_dimension_numbers<[1], [1], [0], [0], [0, 0, 1, 0], [], []>, precision = #tpu.contract_precision<fp32>, transpose_lhs_hint = false} : vector<1x128xf32>, vector<128x128xf32>, vector<1x128xf32> -> vector<1x128xf32>
      %add3A_84 = arith.addf %dot_general3A_78, %dot_general3A_83 : vector<1x128xf32>
      %get3A_85 = arith.constant 0 : index
      %get3A_86 = arith.constant 0 : index
      %get3A_87 = vector.load %arg14[%get3A_85, %get3A_86] : memref<1x128xf32, #tpu.memory_space<vmem>>, vector<1x128xf32>
      %add3A_88 = arith.addf %add3A_84, %get3A_87 : vector<1x128xf32>
      %max3A_89 = arith.constant 0.000000e+00 : f32
      %max3A_90 = vector.broadcast %max3A_89 : f32 to vector<1x128xf32>
      %max3A_91 = arith.maximumf %add3A_88, %max3A_90 : vector<1x128xf32>
      %get3A_92 = arith.constant 0 : index
      %get3A_93 = arith.constant 0 : index
      %get3A_94 = vector.load %arg15[%get3A_92, %get3A_93] : memref<1x128xf32, #tpu.memory_space<vmem>>, vector<1x128xf32>
      %mul3A_95 = arith.mulf %max3A_91, %get3A_94 : vector<1x128xf32>
      %reduce_sum3A_96 = vector.shape_cast %mul3A_95 : vector<1x128xf32> to vector<1x1x128xf32>
      %reduce_sum3A_97 = arith.constant dense<0.000000e+00> : vector<1xf32>
      %reduce_sum3A_98 = vector.multi_reduction <add>, %reduce_sum3A_96, %reduce_sum3A_97 [1, 2] : vector<1x1x128xf32> to vector<1xf32>
      %reduce_sum3A_99 = vector.shape_cast %reduce_sum3A_98 : vector<1xf32> to vector<1x1x1xf32>
      %reduce_sum3A_100 = vector.extract %reduce_sum3A_99[0, 0, 0] : f32 from vector<1x1x1xf32>
      %get3A_101 = arith.constant 0 : index
      %get3A_102 = arith.constant 0 : index
      %get3A_103 = vector.load %arg16[%get3A_101, %get3A_102] : memref<1x1xf32, #tpu.memory_space<vmem>>, vector<1x1xf32>
      %add3A_104 = vector.broadcast %reduce_sum3A_100 : f32 to vector<1x1xf32>
      %add3A_105 = arith.addf %add3A_104, %get3A_103 : vector<1x1xf32>
      %logistic3A = arith.negf %add3A_105 : vector<1x1xf32>
      %logistic3A_106 = math.exp %logistic3A : vector<1x1xf32>
      %logistic3A_107 = arith.constant 1.000000e+00 : f32
      %logistic3A_108 = vector.broadcast %logistic3A_107 : f32 to vector<1x1xf32>
      %logistic3A_109 = arith.addf %logistic3A_108, %logistic3A_106 : vector<1x1xf32>
      %logistic3A_110 = arith.divf %logistic3A_108, %logistic3A_109 : vector<1x1xf32>
      %swap3A_111 = arith.constant 0 : index
      %swap3A_112 = arith.constant 0 : index
      %swap3A_113 = vector.load %arg17[%swap3A_111, %swap3A_112] : memref<1x1xf32, #tpu.memory_space<vmem>>, vector<1x1xf32>
      tpu.vector_store %arg17[%swap3A_111, %swap3A_112], %logistic3A_110 {strides = array<i32>} : memref<1x1xf32, #tpu.memory_space<vmem>>, vector<1x1xf32>,
    } else {
    }
    return
  }
  func.func @transform_0(%arg0: i32) -> (i32, i32) {
    %c0_i32 = arith.constant 0 : i32
    %c0_i32_0 = arith.constant 0 : i32
    return %arg0, %c0_i32 : i32, i32
  }
  func.func @transform_1(%arg0: i32) -> (i32, i32) {
    %c0_i32 = arith.constant 0 : i32
    %c0_i32_0 = arith.constant 0 : i32
    return %arg0, %c0_i32 : i32, i32
  }
  func.func @transform_2(%arg0: i32) -> (i32, i32) {
    %c0_i32 = arith.constant 0 : i32
    %c0_i32_0 = arith.constant 0 : i32
    %c0_i32_1 = arith.constant 0 : i32
    return %c0_i32, %c0_i32_0 : i32, i32
  }
  func.func @transform_3(%arg0: i32) -> (i32, i32) {
    %c0_i32 = arith.constant 0 : i32
    %c0_i32_0 = arith.constant 0 : i32
    %c0_i32_1 = arith.constant 0 : i32
    return %c0_i32, %c0_i32_0 : i32, i32
  }
  func.func @transform_4(%arg0: i32) -> (i32, i32) {
    %c0_i32 = arith.constant 0 : i32
    %c0_i32_0 = arith.constant 0 : i32
    %c0_i32_1 = arith.constant 0 : i32
    return %c0_i32, %c0_i32_0 : i32, i32
  }
  func.func @transform_5(%arg0: i32) -> (i32, i32) {
    %c0_i32 = arith.constant 0 : i32
    %c0_i32_0 = arith.constant 0 : i32
    %c0_i32_1 = arith.constant 0 : i32
    return %c0_i32, %c0_i32_0 : i32, i32
  }
  func.func @transform_6(%arg0: i32) -> (i32, i32) {
    %c0_i32 = arith.constant 0 : i32
    %c0_i32_0 = arith.constant 0 : i32
    %c0_i32_1 = arith.constant 0 : i32
    return %c0_i32, %c0_i32_0 : i32, i32
  }
  func.func @transform_7(%arg0: i32) -> (i32, i32) {
    %c0_i32 = arith.constant 0 : i32
    %c0_i32_0 = arith.constant 0 : i32
    %c0_i32_1 = arith.constant 0 : i32
    return %c0_i32, %c0_i32_0 : i32, i32
  }
  func.func @transform_8(%arg0: i32) -> (i32, i32) {
    %c0_i32 = arith.constant 0 : i32
    %c0_i32_0 = arith.constant 0 : i32
    %c0_i32_1 = arith.constant 0 : i32
    return %c0_i32, %c0_i32_0 : i32, i32
  }
  func.func @transform_9(%arg0: i32) -> (i32, i32) {
    %c0_i32 = arith.constant 0 : i32
    %c0_i32_0 = arith.constant 0 : i32
    %c0_i32_1 = arith.constant 0 : i32
    return %c0_i32, %c0_i32_0 : i32, i32
  }
  func.func @transform_10(%arg0: i32) -> (i32, i32) {
    %c0_i32 = arith.constant 0 : i32
    %c0_i32_0 = arith.constant 0 : i32
    %c0_i32_1 = arith.constant 0 : i32
    return %c0_i32, %c0_i32_0 : i32, i32
  }
  func.func @transform_11(%arg0: i32) -> (i32, i32) {
    %c0_i32 = arith.constant 0 : i32
    %c0_i32_0 = arith.constant 0 : i32
    %c0_i32_1 = arith.constant 0 : i32
    return %c0_i32, %c0_i32_0 : i32, i32
  }
  func.func @transform_12(%arg0: i32) -> (i32, i32) {
    %c0_i32 = arith.constant 0 : i32
    %c0_i32_0 = arith.constant 0 : i32
    %c0_i32_1 = arith.constant 0 : i32
    return %c0_i32, %c0_i32_0 : i32, i32
  }
  func.func @transform_13(%arg0: i32) -> (i32, i32) {
    %c0_i32 = arith.constant 0 : i32
    %c0_i32_0 = arith.constant 0 : i32
    %c0_i32_1 = arith.constant 0 : i32
    return %c0_i32, %c0_i32_0 : i32, i32
  }
  func.func @transform_14(%arg0: i32) -> (i32, i32) {
    %c0_i32 = arith.constant 0 : i32
    %c0_i32_0 = arith.constant 0 : i32
    %c0_i32_1 = arith.constant 0 : i32
    return %c0_i32, %c0_i32_0 : i32, i32
  }
  func.func @transform_15(%arg0: i32) -> (i32, i32) {
    %c0_i32 = arith.constant 0 : i32
    %c0_i32_0 = arith.constant 0 : i32
    %c0_i32_1 = arith.constant 0 : i32
    return %c0_i32, %c0_i32_0 : i32, i32
  }
  func.func @transform_16(%arg0: i32) -> (i32, i32) {
    %c0_i32 = arith.constant 0 : i32
    %c0_i32_0 = arith.constant 0 : i32
    %c0_i32_1 = arith.constant 0 : i32
    return %c0_i32, %c0_i32_0 : i32, i32
  }
}

</mosaic_0001>

<sc_bundles>
// kernel: kernel.4.cloned.1.call-start
scs
__scs_entry_jumppad:
0x0: {  	(pc) =	sbr.rel $0x88, $3  }
0x1: {  	(tag) =	ssettag $0x0;
	lr =	simm.s32 $0x1  }
0x2: {  	[smem:$0x3F92] =	sst lr;
	_ =	strace $0xD0000000  }
0x3: {  	_ = 	snop  }
0x4: {  	_ = 	snop  }
0x5: {  	_ = 	snop  }
0x6: {  	_ = 	snop  }
0x7: {  	_ = 	snop  }
__scs_overlays_trampoline_lowered:
0x8: {  	[smem:$0x3FA1] =	sst s0  }
0x9: {  	[smem:$0x3FA2] =	sst s1  }
0xa: {  	[smem:$0x3FA3] =	sst s2  }
0xb: {  	[smem:$0x3FA4] =	sst s3  }
0xc: {  	[smem:$0x3FA5] =	sst s4  }
0xd: {  	[smem:$0x3FA6] =	sst s5  }
0xe: {  	[smem:$0x3FA7] =	sst s6  }
0xf: {  	[smem:$0x3FA8] =	sst s7  }
0x10: {  	[smem:$0x3FA9] =	sst s8  }
0x11: {  	[smem:$0x3FAA] =	sst s9;
	s0 =	simm.s32 @!p0 $0x0  }
0x12: {  	s1 =	sld [smem:$0x3F90];
	s0 =	simm.s32 @p0 $0x1  }
0x13: {  	[smem:$0x3FAB] =	sst s0;
	s0 =	simm.s32 @!p1 $0x0  }
0x14: {  	s2 =	sld [smem:$0x3F8F];
	s0 =	simm.s32 @p1 $0x1  }
0x15: {  	[smem:$0x3FAC] =	sst s0;
	s0 =	simm.s32 @!p2 $0x0  }
0x16: {  	s3 =	sld [smem:$0x3FDB];
	s0 =	simm.s32 @p2 $0x1  }
0x17: {  	s4 =	simm.s32 $0x1BF5;
	[smem:$0x3FAE] =	sst s0  }
0x18: {  	s0 =	sld [smem:$0x3F91];
	_ =	swait.ge [sflag:s4], $0x0  }
0x19: {  	s7 =	sld [smem:$0x3F92]  }
0x1a: {  	s8 =	sadd.s32 $0xFFFFE003, lr  }
0x1b: {  	s9 =	sadd.s32 $0xFFFFFEF7, lr;
	s5 =	simm.s32 $0xFFFFFFFF;
	p2 =	slt.u32 s8, $0xFFFFF086  }
0x1c: {  	p1 =	slt.u32 s9, $0xF7A;
	s5 =	simm.s32 @!p2 $0x0  }
0x1d: {  	s5 =	simm.s32 @p1 $0x1;
	p0 =	seq.s32 s7, s2  }
0x1e: {  	s7 =	smul.u32 @!p0 $0xF7A, s2;
	p2 =	seq.s32 @!p0 s5, $0x0  }
0x1f: {  	s9 =	smul.u32 $0xF7A, s1;
	s8 =	simm.s32 @!p0 $0x1BF5;
	p2 =	por !p2, p0  }
0x20: {  	[sflag:s8] =	ssyncset.s32 @!p0 $0xFFFFF086;
	s6 =	sadd.s32 @!p0 s3, s7;
	s7 =	simm.s32 @!p0 $0x108  }
0x21: {  	s3 =	sadd.s32 s3, s9;
	s6 =	sadd.s32 @!p0 $0x88, s6;
	s7 =	simm.s32 @p2 $0x1082  }
0x22: {  	[simem:s7], [sflag:s8] =	dma.local @!p0 [hbm:s6], $0xF7A  }
0x23: {  	s9 =	sor.u32 $0xD0000000, s2;
	s6 =	simm.s32 $0x108;
	_ =	swait.ge @!p0 [sflag:s8], $0x0  }
0x24: {  	s3 =	sadd.s32 $0x88, s3;
	s6 =	simm.s32 @!p1 $0x1082;
	[sflag:s4] =	ssyncset.s32 $0xFFFFF086  }
0x25: {  	[simem:s6], [sflag:s4] =	dma.local [hbm:s3], $0xF7A  }
0x26: {  	[smem:$0x3F92] =	sst s1;
	(tag) =	ssettag s2;
	_ =	strace s9  }
0x27: {  	s1 =	sld [smem:$0x3FA2]  }
0x28: {  	s2 =	sld [smem:$0x3FA3]  }
0x29: {  	s4 =	sld [smem:$0x3FA5]  }
0x2a: {  	p0 =	seq.s32 s5, $0x0;
	s5 =	sld [smem:$0x3FA6]  }
0x2b: {  	s6 =	sld [smem:$0x3FA7]  }
0x2c: {  	s7 =	sld [smem:$0x3FA8]  }
0x2d: {  	s3 =	simm.s32 $0x108;
	s8 =	sld [smem:$0x3FA9]  }
0x2e: {  	s3 =	simm.s32 @!p0 $0x1082;
	s9 =	sld [smem:$0x3FAA]  }
0x2f: {  	lr =	sadd.s32 s0, s3;
	s0 =	sld [smem:$0x3FA1]  }
0x30: {  	s3 =	sld [smem:$0x3FA4]  }
0x31: {  	[smem:$0x3FAD] =	sst s10  }
0x32: {  	s10 =	sld [smem:$0x3FAB];
	_ =	sdelay $0x3  }
0x33: {  	p0 =	seq.s32 s10, $0x1;
	s10 =	sld [smem:$0x3FAD];
	_ =	sdelay $0x3  }
0x34: {  	[smem:$0x3FAD] =	sst s10  }
0x35: {  	s10 =	sld [smem:$0x3FAC];
	_ =	sdelay $0x3  }
0x36: {  	p1 =	seq.s32 s10, $0x1;
	s10 =	sld [smem:$0x3FAD];
	_ =	sdelay $0x3  }
0x37: {  	[smem:$0x3FAD] =	sst s10  }
0x38: {  	s10 =	sld [smem:$0x3FAE]  }
0x39: {  	_ = 	snop;
	(pc) =	sbr.ind lr, $3  }
0x3a: {  	_ = 	snop  }
0x3b: {  	_ = 	snop  }
0x3c: {  	p2 =	seq.s32 s10, $0x1;
	s10 =	sld [smem:$0x3FAD]  }
0x3d: {  	_ =	shalt  }
0x3e: {  	_ =	shalt  }
0x3f: {  	_ =	shalt  }
0x40: {  	_ =	shalt  }
0x41: {  	_ =	shalt  }
0x42: {  	_ =	shalt  }
0x43: {  	_ =	shalt  }
0x44: {  	_ =	shalt  }
0x45: {  	_ =	shalt  }
0x46: {  	_ =	shalt  }
0x47: {  	_ =	shalt  }
0x48: {  	_ =	shalt  }
0x49: {  	_ =	shalt  }
0x4a: {  	_ =	shalt  }
0x4b: {  	_ =	shalt  }
0x4c: {  	_ =	shalt  }
0x4d: {  	_ =	shalt  }
0x4e: {  	_ =	shalt  }
0x4f: {  	_ =	shalt  }
0x50: {  	_ =	shalt  }
0x51: {  	_ =	shalt  }
0x52: {  	_ =	shalt  }
0x53: {  	_ =	shalt  }
0x54: {  	_ =	shalt  }
0x55: {  	_ =	shalt  }
0x56: {  	_ =	shalt  }
0x57: {  	_ =	shalt  }
0x58: {  	_ =	shalt  }
0x59: {  	_ =	shalt  }
0x5a: {  	_ =	shalt  }
0x5b: {  	_ =	shalt  }
0x5c: {  	_ =	shalt  }
0x5d: {  	_ =	shalt  }
0x5e: {  	_ =	shalt  }
0x5f: {  	_ =	shalt  }
0x60: {  	_ =	shalt  }
0x61: {  	_ =	shalt  }
0x62: {  	_ =	shalt  }
0x63: {  	_ =	shalt  }
0x64: {  	_ =	shalt  }
0x65: {  	_ =	shalt  }
0x66: {  	_ =	shalt  }
0x67: {  	_ =	shalt  }
0x68: {  	_ =	shalt  }
0x69: {  	_ =	shalt  }
0x6a: {  	_ =	shalt  }
0x6b: {  	_ =	shalt  }
0x6c: {  	_ =	shalt  }
0x6d: {  	_ =	shalt  }
0x6e: {  	_ =	shalt  }
0x6f: {  	_ =	shalt  }
0x70: {  	_ =	shalt  }
0x71: {  	_ =	shalt  }
0x72: {  	_ =	shalt  }
0x73: {  	_ =	shalt  }
0x74: {  	_ =	shalt  }
0x75: {  	_ =	shalt  }
0x76: {  	_ =	shalt  }
0x77: {  	_ =	shalt  }
0x78: {  	_ =	shalt  }
0x79: {  	_ =	shalt  }
0x7a: {  	_ =	shalt  }
0x7b: {  	_ =	shalt  }
0x7c: {  	_ =	shalt  }
0x7d: {  	_ =	shalt  }
0x7e: {  	_ =	shalt  }
0x7f: {  	_ =	shalt  }
0x80: {  	_ =	shalt  }
0x81: {  	_ =	shalt  }
0x82: {  	_ =	shalt  }
0x83: {  	_ =	shalt  }
0x84: {  	_ =	shalt  }
0x85: {  	_ =	shalt  }
0x86: {  	_ =	shalt  }
0x87: {  	_ =	shalt  }
.Lfunc_end0:
.L_simem_size_0:
called_computation_lowered:
.L_overlay_start_0:
0x88: {  	s2 =	sld [smem:$0x3FD9]  }
0x89: {  	s3 =	sld [smem:$0x3FFE];
	_ =	sdelay $0x1  }
0x8a: {  	s1 =	srdreg.scid  }
0x8b: {  	s0 =	sand.u32 $0x1, s1  }
0x8c: {  	s17 =	sshll.u32 s0, $0xA;
	s2 =	sadd.s32 s3, s2  }
0x8d: {  	s2 =	sadd.s32 s2, s17  }
0x8e: {  	[smem:$0x3FB9] =	sst s2  }
0x8f: {  	_ = 	snop  }
0x90: {  	s2 =	sld [smem:$0x3FC9];
	(tm) =	ssettm $0x1  }
0x91: {  	s18 =	sld [smem:$0x3FFB];
	_ =	sdelay $0x3  }
0x92: {  	_ =	strace s18  }
0x93: {  	s3 =	sld [smem:$0x3FFC];
	_ =	sdelay $0x3  }
0x94: {  	_ =	strace s3  }
0x95: {  	s3 =	sld [smem:$0x3FFD];
	_ =	sdelay $0x3  }
0x96: {  	_ =	strace s3  }
0x97: {  	_ =	strace $0x8FFFFFFF  }
0x98: {  	s19 =	sld [smem:$0x3FDB];
	_ =	sdelay $0x1  }
0x99: {  	s4 =	simm.s32 $_scs_section_size  }
0x9a: {  	s5 =	simm.s32 $_size__tile_overlayer_lowered;
	s6 =	simm.s32 $_tile_overlayer_lowered  }
0x9b: {  	s22 =	simm.s32 $0x1BFF;
	s21 =	sshll.u32 s6, $0x1;
	s3 =	sadd.s32 s4, s19  }
0x9c: {  	s7 =	simm.s32 $0x0;
	s20 =	sshll.u32 s5, $0x1;
	s5 =	sadd.s32 s21, s3  }
0x9d: {  	[timem:s7], [sflag:s22] =	dma.local [hbm:s5], s20  }
0x9e: {  	_ =	swait.ge [sflag:s22], s20  }
0x9f: {  	s4 =	ssub.s32 $0x0, s20;
	[sflag:s22] =	ssyncset.done $0x0  }
0xa0: {  	[sflag:s22] =	ssyncadd.s32 s4;
	_ =	sdelay $0x1  }
0xa1: {  	s23 =	simm.s32 $0x1B8B  }
0xa2: {  	_ =	swait.ge [sflag:s23], $0x1  }
0xa3: {  	[sflag:s23] =	ssyncset.done $0x0  }
0xa4: {  	s25 =	simm.s32 $0x1B8E;
	s24 =	sld [smem:$0x3FFE];
	[sflag:s23] =	ssyncadd.s32 $0xFFFFFFFF  }
0xa5: {  	s26 =	simm.s32 $execute0_lowered;
	[smem:$0x3FD2] =	sst s25  }
0xa6: {  	s5 =	sshll.u32 s26, $0x1;
	_ =	strace $0x80000046;
	[dreg:$0x1] =	wrdreg $0xFFFFFFFF  }
0xa7: {  	s28 =	simm.s32 $_size_execute0_lowered;
	s3 =	sadd.s32 s3, s5;
	[dreg:$0x0] =	wrdreg $0x0  }
0xa8: {  	s5 =	sshll.u32 s28, $0x1;
	[dreg:$0x2] =	wrdreg s3  }
0xa9: {  	[dreg:$0x3] =	wrdreg s5  }
0xaa: {  	[dreg:$0x4] =	wrdreg $0xC0  }
0xab: {  	_ =	task [dreg:s7], $0x5FFFF  }
0xac: {  	[dreg:$0x1] =	wrdreg $0xFFFFFFFF  }
0xad: {  	[dreg:$0x0] =	wrdreg $0x60  }
0xae: {  	[dreg:$0x2] =	wrdreg s2  }
0xaf: {  	[dreg:$0x3] =	wrdreg s24  }
0xb0: {  	[dreg:$0x4] =	wrdreg $0x29000  }
0xb1: {  	[dreg:$0x5] =	wrdreg $0x9  }
0xb2: {  	_ =	task.clear_ibuf [dreg:s7], $0x6FFFF;
	_ =	strace $0x90000046  }
0xb3: {  	s29 =	simm.s32 $0x9;
	_ =	strace $0x80000048  }
0xb4: {  	_ =	swait.ge [sflag:s29], $0x1  }
0xb5: {  	[sflag:s29] =	ssyncadd.s32 $0xFFFFFFFF  }
0xb6: {  	_ =	strace $0x90000048  }
0xb7: {  	_ =	sfence  }
0xb8: {  	s30 =	sld [smem:$0x0];
	_ =	sdelay $0x2  }
0xb9: {  	s31 =	sshll.u32 s1, $0xD;
	s1 =	sshrl.u32 s1, $0x2  }
0xba: {  	s3 =	sand.u32 $0x4000, s31;
	s1 =	sadd.s32 s1, s30  }
0xbb: {  	s0 =	sor.u32 s3, s0;
	s1 =	sshll.u32 s1, $0x11  }
0xbc: {  	s0 =	sor.u32 s1, s0  }
0xbd: {  	s0 =	sadd.s32 $0x8F2B, s0  }
0xbe: {  	[sflag:s0] =	ssyncadd.remote.s32 $0x1  }
0xbf: {  	_ =	sfence.sel $0xFFFF  }
0xc0: {  	[dreg:$0x0] =	wrdreg $0xFFFFFFFF;
	(pc) =	sbr.abs _section_cstart, $3  }
0xc1: {  	[dreg:$0x1] =	wrdreg $0xFFFFFFFF  }
0xc2: {  	_ =	task.clear_ibuf [dreg:s7], $0x2FFFF;
	_ =	strace $0x9FFFFFFF  }
0xc3: {  	(tm) =	ssettm $0x7FFFFFFF  }
tec
execute0_lowered:
.L_overlay_start_1:
0x0: {  	(tag) =	ssettag $0x1  }
0x1: {  	s1 =	rddreg [dreg:$0x0];
	s2 =	srdreg.scid  }
0x2: {  	s0 =	stileid.u32;
	s6 =	rddreg [dreg:$0x1]  }
0x3: {  	s3 =	rddreg [dreg:$0x2];
	s4 =	simm.s32 $0x0;
	s18 =	simm.s32 $0x80  }
0x4: {  	s19 =	simm.s32 $0x50;
	s20 =	simm.s32 $0x100;
	s5 =	smul.u32 $0x4E20, s0  }
0x5: {  	s21 =	simm.s32 $0x1;
	s23 =	simm.s32 $0x0;
	s26 =	smul.u32 $0x4E000, s0  }
0x6: {  	s13 =	sand.u32 $0x1, s2;
	s2 =	rddreg [dreg:$0x3];
	s8 =	smul.u32 $0x2700, s0  }
0x7: {  	[smem:$0x7FF] =	sst s4;
	s14 =	smul.u32 $0x13800, s0;
	s15 =	sadd.s32 $0x3C600, s6  }
0x8: {  	s22 =	sadd.s32 $0x138000, s3;
	p1 =	seq.s32 s0, $0xF;
	p2 =	sne.s32 s0, $0xF  }
0x9: {  	s7 =	smul.u32 $0x2710, s13;
	_ =	strace $0x80000047;
	s9 =	ssub.s32 $0x2, s13  }
0xa: {  	s10 =	smul.u32 $0x138800, s13;
	p0 =	sne.s32 s13, $0x0;
	s13 =	sshll.u32 s0, $0x6  }
0xb: {  	s17 =	sshrl.u32 s22, $0x3;
	s22 =	sshrl.u32 @!p2 s22, $0x3;
	s11 =	sshrl.u32 s9, $0x1  }
0xc: {  	s28 =	sshrl.u32 s26, $0x2;
	s5 =	sadd.s32 s7, s5;
	s11 =	ssub.s32 s9, s11  }
0xd: {  	s16 =	sadd.s32 s28, s3;
	s29 =	sadd.s32 s14, s10;
	s10 =	sshrl.u32 s10, $0x3  }
0xe: {  	s7 =	sadd.s32 s1, s8;
	s14 =	sor.u32 $0x1C02, s13;
	s5 =	sshrl.u32 s5, $0x3  }
0xf: {  	s30 =	sshrl.u32 s29, $0x3;
	s31 =	sadd.s32 s15, s10;
	s10 =	smax.u32 s11, $0x1  }
0x10: {  	s12 =	sadd.s32 s5, s6;
	s5 =	sadd.s32 $0x15400, s6;
	s9 =	sadd.s32 $0x27000, s31  }
0x11: {  	s6 =	sadd.s32 s5, s8;
	s8 =	sadd.s32 s15, s30;
	s11 =	sadd.s32 $0x1800, s12  }
0x12: {  	s12 =	sadd.s32 $0xB600, s12;
	s15 =	sshrl.u32 s16, $0x3;
	s16 =	simm.s32 $0x2  }
.LBB2_1:
.Ltmp0:
0x13: {  	(pc) =	sbr.rel @p0 .LBB2_3-.Ltmp0, $1  }
0x14: {  	_ =	sdelay $0x3  }
0x15: {  	[spmem:s15], [sflag:s14] =	dma.local [hbm:s7], $0x2700  }
.Ltmp1:
0x16: {  	_ = 	snop;
	(pc) =	sbr.rel @p1 .LBB2_4-.Ltmp1, $4  }
.Ltmp2:
0x17: {  	_ = 	snop;
	(pc) =	sbr.rel @!p1 .LBB2_5-.Ltmp2, $4  }
0x18: {  	_ =	swait.ge [sflag:s16], $0x2700  }
0x19: {  	[sflag:s16] =	ssyncset.done $0x0  }
0x1a: {  	s25 =	smov.u32 s1;
	s24 =	smov.u32 s14;
	[sflag:s16] =	ssyncadd.s32 $0xFFFFD900  }
0x1b: {  	_ = 	snop  }
.LBB2_3:
.Ltmp3:
0x1c: {  	s24 =	sor.u32 $0x1C02, s13;
	(pc) =	sbr.rel @p2 .LBB2_5-.Ltmp3, $4  }
0x1d: {  	[spmem:s15], [sflag:s24] =	dma.local [hbm:s6], $0x2700  }
0x1e: {  	_ =	swait.ge [sflag:s16], $0x2700  }
0x1f: {  	[sflag:s16] =	ssyncset.done $0x0  }
0x20: {  	s25 =	smov.u32 s5;
	[sflag:s16] =	ssyncadd.s32 $0xFFFFD900  }
.LBB2_4:
0x21: {  	s25 =	sadd.s32 $0x27000, s25  }
0x22: {  	[spmem:s17], [sflag:s24] =	dma.local [hbm:s25], $0x100  }
0x23: {  	_ =	swait.ge [sflag:s16], $0x100  }
0x24: {  	[sflag:s16] =	ssyncset.done $0x0  }
0x25: {  	[sflag:s16] =	ssyncadd.s32 $0xFFFFFF00  }
.LBB2_5:
0x26: {  	[bflag:$0x0] =	sbarrier.arrive $0xFFFF;
	s24 =	sadd.s32 $0x0, s12  }
0x27: {  	[tilespmem:s4], [sflag:$0x2] =	stream.linear.gather [hbm4b:s24+s4], $0x50, $0x38;
	[tilespmem:$0x16180] =	vst v63  }
0x28: {  	_ =	swait.ge [sflag:s16], $0x50  }
0x29: {  	[sflag:s16] =	ssyncset.done $0x0  }
0x2a: {  	s31 =	sadd.s32 $0x0, s11;
	[sflag:s16] =	ssyncadd.s32 $0xFFFFFFB0  }
0x2b: {  	[tilespmem:s18], [sflag:$0x2] =	stream.linear.gather [hbm4b:s31+s4], $0x50, $0x38;
	[tilespmem:$0x16180] =	vst v63  }
0x2c: {  	_ =	swait.ge [sflag:s16], $0x50  }
0x2d: {  	[sflag:s16] =	ssyncset.done $0x0  }
0x2e: {  	[sflag:s16] =	ssyncadd.s32 $0xFFFFFFB0  }
0x2f: {  	[tilespmem:s20], [sflag:$0x1] =	stream.indirect.gather [hbm4b:s1+s19], $0x80, s4, s19, $0xb8;
	[tilespmem:$0x16180] =	vst v63  }
0x30: {  	_ =	swait.ge [sflag:s21], $0x2800  }
0x31: {  	[sflag:s21] =	ssyncset.done $0x0  }
0x32: {  	[sflag:s21] =	ssyncadd.s32 $0xFFFFD800  }
0x33: {  	[spmem:s3] =	stream.indirect.scatter.add.f32 [tilespmem:s20], [sflag:$0x2], $0x80, s18, s19, $0xb8;
	[tilespmem:$0x16180] =	vst v63  }
0x34: {  	_ =	swait.ge [sflag:s16], $0x2800  }
0x35: {  	s25 =	simm.s32 $0x14;
	s24 =	simm.s32 $0xA;
	[sflag:s16] =	ssyncset.done $0x0  }
.LBB2_6:
0x36: {  	s26 =	sadd.s32 s24, s12  }
0x37: {  	[sflag:s16] =	ssyncadd.s32 $0xFFFFD800;
	s28 =	smov.u32 s25;
	s29 =	sadd.s32 $0xA, s25  }
0x38: {  	[tilespmem:s4], [sflag:$0x2] =	stream.linear.gather [hbm4b:s26+s4], $0x50, $0x38;
	[tilespmem:$0x16180] =	vst v63  }
0x39: {  	p3 =	sne.s32 s25, $0x4D8;
	_ =	swait.ge [sflag:s16], $0x50  }
0x3a: {  	[sflag:s16] =	ssyncset.done $0x0  }
0x3b: {  	s25 =	sadd.s32 s24, s11;
	s24 =	smov.u32 s28;
	[sflag:s16] =	ssyncadd.s32 $0xFFFFFFB0  }
0x3c: {  	[tilespmem:s18], [sflag:$0x2] =	stream.linear.gather [hbm4b:s25+s4], $0x50, $0x38;
	[tilespmem:$0x16180] =	vst v63  }
0x3d: {  	_ =	swait.ge [sflag:s16], $0x50  }
0x3e: {  	[sflag:s16] =	ssyncset.done $0x0  }
0x3f: {  	[sflag:s16] =	ssyncadd.s32 $0xFFFFFFB0  }
0x40: {  	[tilespmem:s20], [sflag:$0x1] =	stream.indirect.gather [hbm4b:s1+s19], $0x80, s4, s19, $0xb8;
	[tilespmem:$0x16180] =	vst v63  }
0x41: {  	_ =	swait.ge [sflag:s21], $0x2800  }
.Ltmp4:
0x42: {  	[sflag:s21] =	ssyncset.done $0x0;
	(pc) =	sbr.rel @p3 .LBB2_6-.Ltmp4, $4  }
0x43: {  	[sflag:s21] =	ssyncadd.s32 $0xFFFFD800  }
0x44: {  	[spmem:s3] =	stream.indirect.scatter.add.f32 [tilespmem:s20], [sflag:$0x2], $0x80, s18, s19, $0xb8;
	[tilespmem:$0x16180] =	vst v63  }
0x45: {  	_ =	swait.ge [sflag:s16], $0x2800  }
0x46: {  	s25 =	smov.u32 s29;
	[sflag:s16] =	ssyncset.done $0x0  }
0x47: {  	s25 =	sadd.s32 s24, s12;
	[sflag:s16] =	ssyncadd.s32 $0xFFFFD800  }
0x48: {  	[tilespmem:s4], [sflag:$0x2] =	stream.linear.gather [hbm4b:s25+s4], $0x50, $0x38;
	[tilespmem:$0x16180] =	vst v63  }
0x49: {  	_ =	swait.ge [sflag:s16], $0x50  }
0x4a: {  	[sflag:s16] =	ssyncset.done $0x0  }
0x4b: {  	s31 =	sadd.s32 s24, s11;
	[sflag:s16] =	ssyncadd.s32 $0xFFFFFFB0  }
0x4c: {  	[tilespmem:s18], [sflag:$0x2] =	stream.linear.gather [hbm4b:s31+s4], $0x50, $0x38;
	[tilespmem:$0x16180] =	vst v63  }
0x4d: {  	_ =	swait.ge [sflag:s16], $0x50  }
0x4e: {  	[sflag:s16] =	ssyncset.done $0x0  }
0x4f: {  	[sflag:s16] =	ssyncadd.s32 $0xFFFFFFB0  }
0x50: {  	[tilespmem:s20], [sflag:$0x1] =	stream.indirect.gather [hbm4b:s1+s19], $0x80, s4, s19, $0xb8;
	[tilespmem:$0x16180] =	vst v63  }
0x51: {  	_ =	swait.ge [sflag:s21], $0x2800  }
0x52: {  	[sflag:s21] =	ssyncset.done $0x0  }
0x53: {  	[sflag:s21] =	ssyncadd.s32 $0xFFFFD800  }
0x54: {  	[spmem:s3] =	stream.indirect.scatter.add.f32 [tilespmem:s20], [sflag:$0x2], $0x80, s18, s19, $0xb8;
	[tilespmem:$0x16180] =	vst v63  }
0x55: {  	_ =	swait.ge [sflag:s16], $0x2800  }
0x56: {  	[sflag:s16] =	ssyncset.done $0x0  }
0x57: {  	[sflag:s16] =	ssyncadd.s32 $0xFFFFD800  }
0x58: {  	[bflag:$0x0] =	sbarrier.arrive $0xFFFF  }
0x59: {  	[hbm:s8], [sflag:s14] =	dma.local [spmem:s15], $0x2700  }
0x5a: {  	s23 =	sadd.s32 $0x1, s23;
	_ =	swait.ge [sflag:s16], $0x2700  }
0x5b: {  	p3 =	sne.s32 s23, s10;
	[sflag:s16] =	ssyncset.done $0x0  }
.Ltmp5:
0x5c: {  	s24 =	simm.s32 @!p2 $0x2;
	[sflag:s16] =	ssyncadd.s32 $0xFFFFD900;
	(pc) =	sbr.rel @p3 .LBB2_1-.Ltmp5, $4  }
0x5d: {  	[hbm:s9], [sflag:s14] =	dma.local @!p2 [spmem:s22], $0x100  }
0x5e: {  	_ =	swait.ge @!p2 [sflag:s24], $0x100  }
0x5f: {  	[sflag:s24] =	ssyncset.done @!p2 $0x0  }
0x60: {  	[sflag:s24] =	ssyncadd.s32 @!p2 $0xFFFFFF00  }
0x61: {  	_ =	sfence.sel $0x180000  }
0x62: {  	[bflag:$0x0] =	sbarrier.arrive $0xFFFF  }
0x63: {  	p0 =	sne.s32 s0, $0x0;
	_ =	strace $0x90000047  }
0x64: {  	s0 =	sadd.s32 @!p0 $0x100000, s2;
	[bflag:$0x2] =	sbarrier.arrive $0xFFFF  }
0x65: {  	[sflag:s0] =	ssyncadd.tile.s32 @!p0 $0x1;
	_ =	shalt  }
.Lfunc_end2:
_tile_overlayer_lowered:
.L_overlay_start_2:
0x66: {  	(tag) =	ssettag $0x2  }
0x67: {  	s0 =	rddreg [dreg:$0x0];
	s2 =	stileid.u32  }
0x68: {  	s1 =	rddreg [dreg:$0x1];
	p0 =	sne.s32 s2, $0x0  }
0x69: {  	s3 =	rddreg [dreg:$0x2];
	[bflag:$0x3] =	sbarrier.arrive $0xFFFF;
	s2 =	simm.s32 @!p0 $0x1C02  }
0x6a: {  	[timem:s3], [sflag:s2] =	dma.local @!p0 [hbm:s0], s1  }
0x6b: {  	s0 =	simm.s32 @!p0 $0x2  }
0x6c: {  	_ =	swait.ge @!p0 [sflag:s0], s1  }
0x6d: {  	s1 =	ssub.s32 @!p0 $0x0, s1;
	[sflag:s0] =	ssyncset.done @!p0 $0x0  }
0x6e: {  	[sflag:s0] =	ssyncadd.s32 @!p0 s1  }
0x6f: {  	[bflag:$0x3] =	sbarrier.arrive $0xFFFF  }
0x70: {  	_ =	shalt  }

</sc_bundles>
